<compile_context>
chip_gen: v7x
topology: tpu7x:2x2x1
jax: 0.10.2.dev20260603
libtpu: 0.0.44.dev20260713+nightly
codegen_flags: <defaults>
</compile_context>

<pallas_src>
import functools

import jax
import jax.numpy as jnp
from jax import lax
from jax.experimental import pallas as pl
from jax.experimental.pallas import tpu as pltpu
from jax.experimental.pallas import tpu_sc as plsc

CODEBOOK_SIZE = 1024
CODE_DIM = 256
COMMITMENT_WEIGHT = 0.25

TOK_BLK = 768
HALF_BLKS = 3
HALF_TOK = HALF_BLKS * TOK_BLK
N_TOK = 2 * HALF_TOK

NC, NS = 2, 16
NW = NC * NS
ROWS_PER_W = HALF_TOK // NW


def _argmin_half(z_ref, cb_ref, idx_ref, loss_ref, cbsq_ref, *, gather):
    i = pl.program_id(0)
    z = z_ref[0]
    cb = cb_ref[...]

    @pl.when(i == 0)
    def _prep():
        cbsq_ref[...] = jnp.sum(cb * cb, axis=1, keepdims=True)

    scores_t = lax.dot_general(
        cb, z, (((1,), (1,)), ((), ())),
        preferred_element_type=jnp.float32)
    dist_t = cbsq_ref[...] - 2.0 * scores_t
    min_val = jnp.min(dist_t, axis=0, keepdims=True)
    row = lax.broadcasted_iota(jnp.int32, dist_t.shape, 0)
    idx = jnp.min(jnp.where(dist_t == min_val, row, jnp.int32(CODEBOOK_SIZE)),
                  axis=0, keepdims=True)
    idx_ref[pl.ds(i * TOK_BLK, TOK_BLK)] = idx[0]

    @pl.when(i == 0)
    def _init():
        loss_ref[0, 0] = 0.0

    loss_ref[0, 0] += jnp.sum(min_val) + jnp.sum(z * z)
    return dist_t, row, idx


def _dist_argmin_a_body(z_ref, cb_ref, idx_ref, loss_ref, cbsq_ref):
    _argmin_half(z_ref, cb_ref, idx_ref, loss_ref, cbsq_ref, gather=False)


def _dist_argmin_b_body(z_ref, cb_ref, loss_a_ref, idx_ref, loss_ref, q_ref,
                        cbsq_ref):
    i = pl.program_id(0)
    dist_t, row, idx = _argmin_half(
        z_ref, cb_ref, idx_ref, loss_ref, cbsq_ref, gather=True)

    @pl.when(i == 0)
    def _carry():
        loss_ref[0, 0] += loss_a_ref[0, 0]

    onehot_t = jnp.where(row == idx, 1.0, 0.0)
    q_ref[...] = lax.dot_general(
        onehot_t, cb_ref[...], (((0,), (0,)), ((), ())),
        preferred_element_type=jnp.float32)

    @pl.when(i == HALF_BLKS - 1)
    def _scale():
        total = jnp.float32(N_TOK * CODE_DIM)
        loss_ref[0, 0] = loss_ref[0, 0] * (
            (1.0 + COMMITMENT_WEIGHT) / total)


_common = dict(
    grid=(HALF_BLKS,),
    scratch_shapes=[pltpu.VMEM((CODEBOOK_SIZE, 1), jnp.float32)],
)

_dist_argmin_a = pl.pallas_call(
    _dist_argmin_a_body,
    in_specs=[
        pl.BlockSpec((1, TOK_BLK, CODE_DIM), lambda i: (i, 0, 0)),
        pl.BlockSpec((CODEBOOK_SIZE, CODE_DIM), lambda i: (0, 0)),
    ],
    out_specs=[
        pl.BlockSpec((HALF_TOK,), lambda i: (0,)),
        pl.BlockSpec(memory_space=pltpu.SMEM),
    ],
    out_shape=[
        jax.ShapeDtypeStruct((HALF_TOK,), jnp.int32),
        jax.ShapeDtypeStruct((1, 1), jnp.float32),
    ],
    **_common,
)

_B_OFF = HALF_BLKS

_dist_argmin_b = pl.pallas_call(
    _dist_argmin_b_body,
    in_specs=[
        pl.BlockSpec((1, TOK_BLK, CODE_DIM), lambda i: (i + _B_OFF, 0, 0)),
        pl.BlockSpec((CODEBOOK_SIZE, CODE_DIM), lambda i: (0, 0)),
        pl.BlockSpec(memory_space=pltpu.SMEM),
    ],
    out_specs=[
        pl.BlockSpec((HALF_TOK,), lambda i: (0,)),
        pl.BlockSpec(memory_space=pltpu.SMEM),
        pl.BlockSpec((TOK_BLK, CODE_DIM), lambda i: (i, 0)),
    ],
    out_shape=[
        jax.ShapeDtypeStruct((HALF_TOK,), jnp.int32),
        jax.ShapeDtypeStruct((1, 1), jnp.float32),
        jax.ShapeDtypeStruct((HALF_TOK, CODE_DIM), jnp.float32),
    ],
    **_common,
)


@functools.cache
def _make_sc_gather():
    mesh = plsc.VectorSubcoreMesh(core_axis_name="c", subcore_axis_name="s")

    @functools.partial(
        pl.kernel,
        mesh=mesh,
        out_type=jax.ShapeDtypeStruct((N_TOK, CODE_DIM), jnp.float32),
        scratch_types=[
            pltpu.VMEM((ROWS_PER_W,), jnp.int32),
            pltpu.VMEM((ROWS_PER_W, CODE_DIM), jnp.float32),
            [pltpu.SemaphoreType.DMA] * 2,
            [pltpu.SemaphoreType.DMA] * 2,
        ],
    )
    def _sc_gather(cb_hbm, idx_hbm, out_hbm, idx_v, rows_v, gsems, osems):
        wid = lax.axis_index("s") * NC + lax.axis_index("c")
        base = wid * ROWS_PER_W
        offs, sizes = (0, 40), (40, 32)
        pltpu.sync_copy(idx_hbm.at[pl.ds(base, ROWS_PER_W)], idx_v)
        gathers = [
            pltpu.async_copy(cb_hbm.at[idx_v.at[pl.ds(offs[c], sizes[c])]],
                             rows_v.at[pl.ds(offs[c], sizes[c])], gsems[c])
            for c in range(2)
        ]
        stores = []
        for c in range(2):
            gathers[c].wait()
            stores.append(
                pltpu.async_copy(rows_v.at[pl.ds(offs[c], sizes[c])],
                                 out_hbm.at[pl.ds(base + offs[c], sizes[c])],
                                 osems[c]))
        for st in stores:
            st.wait()

    return _sc_gather


def kernel(z, codebook):
    B, N, D = z.shape
    z_blocks = z.reshape(2 * HALF_BLKS, TOK_BLK, D)
    idx_a, loss_a = _dist_argmin_a(z_blocks, codebook)
    q_full = _make_sc_gather()(codebook, idx_a)
    idx_b, loss_b, q_b = _dist_argmin_b(z_blocks, codebook, loss_a)
    q_full = lax.dynamic_update_slice(q_full, q_b, (HALF_TOK, 0))
    quantized_st = q_full.reshape(B, N, D)
    indices = jnp.concatenate([idx_a, idx_b]).reshape(B, N)
    loss = loss_b[0, 0]
    return quantized_st, indices, loss

# --- scband reference (transcript-rebuilt; emitter-appended) ---
"""Pipeline reference for scband-vector-quantizer-lr-80650895884341 (READ-ONLY COPY).

The authoritative reference and input builder live on the scoring server;
editing this copy changes nothing except your own understanding.
"""

import jax, jax.numpy as jnp
import numpy as np

CODEBOOK_SIZE = 1024
CODE_DIM = 256
COMMITMENT_WEIGHT = 0.25


def setup_inputs(seed: int = 0) -> dict:
    key = jax.random.key(seed)
    k1, k2 = jax.random.split(key)
    z = jax.random.normal(k1, (8, 576, CODE_DIM), dtype=jnp.float32)
    codebook = jax.random.normal(k2, (CODEBOOK_SIZE, CODE_DIM), dtype=jnp.float32)
    return {"z": z, "codebook": codebook}


def reference(z, codebook):
    # Faithful VQ forward: nearest-codebook quantization + commitment/codebook loss
    B, N, D = z.shape
    flat = z.reshape(-1, D)
    # squared euclidean distances to every code
    dist = (
        jnp.sum(flat * flat, axis=1, keepdims=True)
        - 2.0 * flat @ codebook.T
        + jnp.sum(codebook * codebook, axis=1)[None, :]
    )
    indices = jnp.argmin(dist, axis=1)
    quantized = jnp.take(codebook, indices, axis=0).reshape(B, N, D)
    # loss breakdown: commitment loss + codebook loss
    commit_loss = jnp.mean((z - jax.lax.stop_gradient(quantized)) ** 2)
    codebook_loss = jnp.mean((jax.lax.stop_gradient(z) - quantized) ** 2)
    loss = codebook_loss + COMMITMENT_WEIGHT * commit_loss
    # straight-through estimator
    quantized_st = z + jax.lax.stop_gradient(quantized - z)
    indices = indices.reshape(B, N)
    return quantized_st, indices, loss

if __name__ == "__main__":
    import jax
    _d = setup_inputs()
    print(jax.jit(kernel)(*tuple(_d.values())))

</pallas_src>

<mosaic_0001>
#map = affine_map<(d0, d1) -> (0, 0)>
#map1 = affine_map<(d0, d1) -> (0)>
module attributes {stable_mosaic.version = 14 : i64} {
  func.func @_sc_gather(%arg0: i32, %arg1: i32, %arg2: memref<1024x256xf32, #tpu.memory_space<hbm>>, %arg3: memref<2304xi32, #tpu.memory_space<hbm>>, %arg4: memref<4608x256xf32, #tpu.memory_space<hbm>>, %arg5: memref<72xi32, #tpu.memory_space<vmem>>, %arg6: memref<72x256xf32, #tpu.memory_space<vmem>>, %arg7: memref<!tpu.dma_semaphore, #tpu.memory_space<semaphore_mem>>, %arg8: memref<!tpu.dma_semaphore, #tpu.memory_space<semaphore_mem>>, %arg9: memref<!tpu.dma_semaphore, #tpu.memory_space<semaphore_mem>>, %arg10: memref<!tpu.dma_semaphore, #tpu.memory_space<semaphore_mem>>) attributes {dimension_semantics = [#tpu.dimension_semantics<core_parallel>, #tpu.dimension_semantics<subcore_parallel>], iteration_bounds = array<i64: 2, 16>, scalar_prefetch = 0 : i64, scratch_operands = 6 : i64, tpu.core_type = #tpu.core_type<sc_vector_subcore>, window_params = [{transform_indices = #map}, {transform_indices = #map1}, {transform_indices = #map}]} {
    %mul3A = arith.constant 2 : i32
    %mul3A_0 = arith.muli %arg1, %mul3A : i32
    %add3A = arith.addi %mul3A_0, %arg0 : i32
    %mul3A_1 = arith.constant 72 : i32
    %mul3A_2 = arith.muli %add3A, %mul3A_1 : i32
    "tpu.region"() ({
      %run_scoped3A = tpu.sem_alloc : memref<!tpu.dma_semaphore, #tpu.memory_space<semaphore_mem>>
      %dma_start3A_77 = tpu.memref_slice %arg3[%mul3A_2] : memref<2304xi32, #tpu.memory_space<hbm>> -> memref<72xi32, #tpu.memory_space<hbm>>
      %dma_start3A_78 = tpu.memref_slice %arg3[%mul3A_2] : memref<2304xi32, #tpu.memory_space<hbm>> -> memref<72xi32, #tpu.memory_space<hbm>>
      tpu.enqueue_dma source(%dma_start3A_78 : memref<72xi32, #tpu.memory_space<hbm>>) target(%arg5 : memref<72xi32, #tpu.memory_space<vmem>>) target_semaphore(%run_scoped3A : memref<!tpu.dma_semaphore, #tpu.memory_space<semaphore_mem>>)
      %dma_wait3A_79 = tpu.memref_slice %arg3[%mul3A_2] : memref<2304xi32, #tpu.memory_space<hbm>> -> memref<72xi32, #tpu.memory_space<hbm>>
      %dma_wait3A_80 = tpu.memref_slice %arg3[%mul3A_2] : memref<2304xi32, #tpu.memory_space<hbm>> -> memref<72xi32, #tpu.memory_space<hbm>>
      tpu.wait_dma2 semaphore(%run_scoped3A : memref<!tpu.dma_semaphore, #tpu.memory_space<semaphore_mem>>) src(%dma_wait3A_80 : memref<72xi32, #tpu.memory_space<hbm>>) dst(%arg5 : memref<72xi32, #tpu.memory_space<vmem>>)
      tpu.yield
    }) : () -> ()
    %dma_start3A = arith.constant 0 : i32
    %dma_start3A_3 = arith.constant 0 : i32
    %dma_start3A_4 = tpu.memref_slice %arg6[%dma_start3A, %dma_start3A_3] : memref<72x256xf32, #tpu.memory_space<vmem>> -> memref<40x256xf32, #tpu.memory_space<vmem>>
    %dma_start3A_5 = arith.constant 0 : i32
    %dma_start3A_6 = tpu.memref_slice %arg5[%dma_start3A_5] : memref<72xi32, #tpu.memory_space<vmem>> -> memref<40xi32, #tpu.memory_space<vmem>>
    %dma_start3A_7 = arith.constant 0 : i32
    %dma_start3A_8 = arith.constant 0 : i32
    %dma_start3A_9 = tpu.memref_slice %arg2[%dma_start3A_7, %dma_start3A_8] : memref<1024x256xf32, #tpu.memory_space<hbm>> -> memref<1024x256xf32, #tpu.memory_space<hbm>>
    tpu.enqueue_indirect_dma source(%dma_start3A_9 : memref<1024x256xf32, #tpu.memory_space<hbm>>) target(%dma_start3A_4 : memref<40x256xf32, #tpu.memory_space<vmem>>) offsets(%dma_start3A_6 : memref<40xi32, #tpu.memory_space<vmem>>) semaphore(%arg7 : memref<!tpu.dma_semaphore, #tpu.memory_space<semaphore_mem>>)
    %dma_start3A_10 = arith.constant 40 : i32
    %dma_start3A_11 = arith.constant 0 : i32
    %dma_start3A_12 = tpu.memref_slice %arg6[%dma_start3A_10, %dma_start3A_11] : memref<72x256xf32, #tpu.memory_space<vmem>> -> memref<32x256xf32, #tpu.memory_space<vmem>>
    %dma_start3A_13 = arith.constant 40 : i32
    %dma_start3A_14 = tpu.memref_slice %arg5[%dma_start3A_13] : memref<72xi32, #tpu.memory_space<vmem>> -> memref<32xi32, #tpu.memory_space<vmem>>
    %dma_start3A_15 = arith.constant 0 : i32
    %dma_start3A_16 = arith.constant 0 : i32
    %dma_start3A_17 = tpu.memref_slice %arg2[%dma_start3A_15, %dma_start3A_16] : memref<1024x256xf32, #tpu.memory_space<hbm>> -> memref<1024x256xf32, #tpu.memory_space<hbm>>
    tpu.enqueue_indirect_dma source(%dma_start3A_17 : memref<1024x256xf32, #tpu.memory_space<hbm>>) target(%dma_start3A_12 : memref<32x256xf32, #tpu.memory_space<vmem>>) offsets(%dma_start3A_14 : memref<32xi32, #tpu.memory_space<vmem>>) semaphore(%arg8 : memref<!tpu.dma_semaphore, #tpu.memory_space<semaphore_mem>>)
    %dma_wait3A = arith.constant 0 : i32
    %dma_wait3A_18 = arith.constant 0 : i32
    %dma_wait3A_19 = tpu.memref_slice %arg6[%dma_wait3A, %dma_wait3A_18] : memref<72x256xf32, #tpu.memory_space<vmem>> -> memref<40x256xf32, #tpu.memory_space<vmem>>
    %dma_wait3A_20 = arith.constant 0 : i32
    %dma_wait3A_21 = tpu.memref_slice %arg5[%dma_wait3A_20] : memref<72xi32, #tpu.memory_space<vmem>> -> memref<40xi32, #tpu.memory_space<vmem>>
    %dma_wait3A_22 = arith.constant 0 : i32
    %dma_wait3A_23 = arith.constant 0 : i32
    %dma_wait3A_24 = tpu.memref_slice %arg2[%dma_wait3A_22, %dma_wait3A_23] : memref<1024x256xf32, #tpu.memory_space<hbm>> -> memref<1024x256xf32, #tpu.memory_space<hbm>>
    tpu.wait_indirect_dma semaphore(%arg7 : memref<!tpu.dma_semaphore, #tpu.memory_space<semaphore_mem>>) src(%dma_wait3A_24 : memref<1024x256xf32, #tpu.memory_space<hbm>>) dst(%dma_wait3A_19 : memref<40x256xf32, #tpu.memory_space<vmem>>)
    %add3A_25 = arith.constant 0 : i32
    %add3A_26 = arith.addi %mul3A_2, %add3A_25 : i32
    %dma_start3A_27 = arith.constant 0 : i32
    %dma_start3A_28 = arith.constant 0 : i32
    %dma_start3A_29 = tpu.memref_slice %arg6[%dma_start3A_27, %dma_start3A_28] : memref<72x256xf32, #tpu.memory_space<vmem>> -> memref<40x256xf32, #tpu.memory_space<vmem>>
    %dma_start3A_30 = arith.constant 0 : i32
    %dma_start3A_31 = tpu.memref_slice %arg4[%add3A_26, %dma_start3A_30] : memref<4608x256xf32, #tpu.memory_space<hbm>> -> memref<40x256xf32, #tpu.memory_space<hbm>>
    %dma_start3A_32 = arith.constant 0 : i32
    %dma_start3A_33 = tpu.memref_slice %arg4[%add3A_26, %dma_start3A_32] : memref<4608x256xf32, #tpu.memory_space<hbm>> -> memref<40x256xf32, #tpu.memory_space<hbm>>
    %dma_start3A_34 = arith.constant 0 : i32
    %dma_start3A_35 = arith.constant 0 : i32
    %dma_start3A_36 = tpu.memref_slice %arg6[%dma_start3A_34, %dma_start3A_35] : memref<72x256xf32, #tpu.memory_space<vmem>> -> memref<40x256xf32, #tpu.memory_space<vmem>>
    tpu.enqueue_dma source(%dma_start3A_36 : memref<40x256xf32, #tpu.memory_space<vmem>>) target(%dma_start3A_33 : memref<40x256xf32, #tpu.memory_space<hbm>>) target_semaphore(%arg9 : memref<!tpu.dma_semaphore, #tpu.memory_space<semaphore_mem>>)
    %dma_wait3A_37 = arith.constant 40 : i32
    %dma_wait3A_38 = arith.constant 0 : i32
    %dma_wait3A_39 = tpu.memref_slice %arg6[%dma_wait3A_37, %dma_wait3A_38] : memref<72x256xf32, #tpu.memory_space<vmem>> -> memref<32x256xf32, #tpu.memory_space<vmem>>
    %dma_wait3A_40 = arith.constant 40 : i32
    %dma_wait3A_41 = tpu.memref_slice %arg5[%dma_wait3A_40] : memref<72xi32, #tpu.memory_space<vmem>> -> memref<32xi32, #tpu.memory_space<vmem>>
    %dma_wait3A_42 = arith.constant 0 : i32
    %dma_wait3A_43 = arith.constant 0 : i32
    %dma_wait3A_44 = tpu.memref_slice %arg2[%dma_wait3A_42, %dma_wait3A_43] : memref<1024x256xf32, #tpu.memory_space<hbm>> -> memref<1024x256xf32, #tpu.memory_space<hbm>>
    tpu.wait_indirect_dma semaphore(%arg8 : memref<!tpu.dma_semaphore, #tpu.memory_space<semaphore_mem>>) src(%dma_wait3A_44 : memref<1024x256xf32, #tpu.memory_space<hbm>>) dst(%dma_wait3A_39 : memref<32x256xf32, #tpu.memory_space<vmem>>)
    %add3A_45 = arith.constant 40 : i32
    %add3A_46 = arith.addi %mul3A_2, %add3A_45 : i32
    %dma_start3A_47 = arith.constant 40 : i32
    %dma_start3A_48 = arith.constant 0 : i32
    %dma_start3A_49 = tpu.memref_slice %arg6[%dma_start3A_47, %dma_start3A_48] : memref<72x256xf32, #tpu.memory_space<vmem>> -> memref<32x256xf32, #tpu.memory_space<vmem>>
    %dma_start3A_50 = arith.constant 0 : i32
    %dma_start3A_51 = tpu.memref_slice %arg4[%add3A_46, %dma_start3A_50] : memref<4608x256xf32, #tpu.memory_space<hbm>> -> memref<32x256xf32, #tpu.memory_space<hbm>>
    %dma_start3A_52 = arith.constant 0 : i32
    %dma_start3A_53 = tpu.memref_slice %arg4[%add3A_46, %dma_start3A_52] : memref<4608x256xf32, #tpu.memory_space<hbm>> -> memref<32x256xf32, #tpu.memory_space<hbm>>
    %dma_start3A_54 = arith.constant 40 : i32
    %dma_start3A_55 = arith.constant 0 : i32
    %dma_start3A_56 = tpu.memref_slice %arg6[%dma_start3A_54, %dma_start3A_55] : memref<72x256xf32, #tpu.memory_space<vmem>> -> memref<32x256xf32, #tpu.memory_space<vmem>>
    tpu.enqueue_dma source(%dma_start3A_56 : memref<32x256xf32, #tpu.memory_space<vmem>>) target(%dma_start3A_53 : memref<32x256xf32, #tpu.memory_space<hbm>>) target_semaphore(%arg10 : memref<!tpu.dma_semaphore, #tpu.memory_space<semaphore_mem>>)
    %dma_wait3A_57 = arith.constant 0 : i32
    %dma_wait3A_58 = arith.constant 0 : i32
    %dma_wait3A_59 = tpu.memref_slice %arg6[%dma_wait3A_57, %dma_wait3A_58] : memref<72x256xf32, #tpu.memory_space<vmem>> -> memref<40x256xf32, #tpu.memory_space<vmem>>
    %dma_wait3A_60 = arith.constant 0 : i32
    %dma_wait3A_61 = tpu.memref_slice %arg4[%add3A_26, %dma_wait3A_60] : memref<4608x256xf32, #tpu.memory_space<hbm>> -> memref<40x256xf32, #tpu.memory_space<hbm>>
    %dma_wait3A_62 = arith.constant 0 : i32
    %dma_wait3A_63 = tpu.memref_slice %arg4[%add3A_26, %dma_wait3A_62] : memref<4608x256xf32, #tpu.memory_space<hbm>> -> memref<40x256xf32, #tpu.memory_space<hbm>>
    %dma_wait3A_64 = arith.constant 0 : i32
    %dma_wait3A_65 = arith.constant 0 : i32
    %dma_wait3A_66 = tpu.memref_slice %arg6[%dma_wait3A_64, %dma_wait3A_65] : memref<72x256xf32, #tpu.memory_space<vmem>> -> memref<40x256xf32, #tpu.memory_space<vmem>>
    tpu.wait_dma2 semaphore(%arg9 : memref<!tpu.dma_semaphore, #tpu.memory_space<semaphore_mem>>) src(%dma_wait3A_66 : memref<40x256xf32, #tpu.memory_space<vmem>>) dst(%dma_wait3A_63 : memref<40x256xf32, #tpu.memory_space<hbm>>)
    %dma_wait3A_67 = arith.constant 40 : i32
    %dma_wait3A_68 = arith.constant 0 : i32
    %dma_wait3A_69 = tpu.memref_slice %arg6[%dma_wait3A_67, %dma_wait3A_68] : memref<72x256xf32, #tpu.memory_space<vmem>> -> memref<32x256xf32, #tpu.memory_space<vmem>>
    %dma_wait3A_70 = arith.constant 0 : i32
    %dma_wait3A_71 = tpu.memref_slice %arg4[%add3A_46, %dma_wait3A_70] : memref<4608x256xf32, #tpu.memory_space<hbm>> -> memref<32x256xf32, #tpu.memory_space<hbm>>
    %dma_wait3A_72 = arith.constant 0 : i32
    %dma_wait3A_73 = tpu.memref_slice %arg4[%add3A_46, %dma_wait3A_72] : memref<4608x256xf32, #tpu.memory_space<hbm>> -> memref<32x256xf32, #tpu.memory_space<hbm>>
    %dma_wait3A_74 = arith.constant 40 : i32
    %dma_wait3A_75 = arith.constant 0 : i32
    %dma_wait3A_76 = tpu.memref_slice %arg6[%dma_wait3A_74, %dma_wait3A_75] : memref<72x256xf32, #tpu.memory_space<vmem>> -> memref<32x256xf32, #tpu.memory_space<vmem>>
    tpu.wait_dma2 semaphore(%arg10 : memref<!tpu.dma_semaphore, #tpu.memory_space<semaphore_mem>>) src(%dma_wait3A_76 : memref<32x256xf32, #tpu.memory_space<vmem>>) dst(%dma_wait3A_73 : memref<32x256xf32, #tpu.memory_space<hbm>>)
    return
  }
}

module attributes {stable_mosaic.version = 14 : i64} {
  func.func @_dist_argmin_a_body(%arg0: i32, %arg1: memref<1x768x256xf32, #tpu.memory_space<vmem>>, %arg2: memref<1024x256xf32, #tpu.memory_space<vmem>>, %arg3: memref<2304xi32, #tpu.memory_space<vmem>>, %arg4: memref<1x1xf32, #tpu.memory_space<smem>>, %arg5: memref<1024x1xf32, #tpu.memory_space<vmem>>) attributes {dimension_semantics = [#tpu.dimension_semantics<arbitrary>], iteration_bounds = array<i64: 3>, scalar_prefetch = 0 : i64, scratch_operands = 1 : i64, tpu.core_type = #tpu.core_type<tc>, window_params = [{transform_indices = @transform_0, window_bounds = array<i64: 1, 768, 256>}, {pipeline_mode = #tpu.pipeline_mode<synchronous>, transform_indices = @transform_1, window_bounds = array<i64: 1024, 256>}, {pipeline_mode = #tpu.pipeline_mode<synchronous>, transform_indices = @transform_2, window_bounds = array<i64: 2304>}, {transform_indices = @transform_3, window_bounds = array<i64: 1, 1>}]} {
    %get3A = arith.constant 0 : index
    %get3A_0 = arith.constant 0 : index
    %get3A_1 = arith.constant 0 : index
    %get3A_2 = vector.load %arg1[%get3A, %get3A_0, %get3A_1] : memref<1x768x256xf32, #tpu.memory_space<vmem>>, vector<1x768x256xf32>
    %get3A_3 = vector.shape_cast %get3A_2 : vector<1x768x256xf32> to vector<768x256xf32>
    %get3A_4 = arith.constant 0 : index
    %get3A_5 = arith.constant 0 : index
    %get3A_6 = vector.load %arg2[%get3A_4, %get3A_5] : memref<1024x256xf32, #tpu.memory_space<vmem>>, vector<1024x256xf32>
    %eq3A = arith.constant 0 : i32
    %eq3A_7 = arith.cmpi eq, %arg0, %eq3A : i32
    %convert_element_type3A = arith.extui %eq3A_7 : i1 to i32
    %cond3A = arith.constant 0 : i32
    %cond3A_8 = arith.cmpi ne, %convert_element_type3A, %cond3A : i32
    scf.if %cond3A_8 {
      %mul3A_48 = arith.mulf %get3A_6, %get3A_6 : vector<1024x256xf32>
      %reduce_sum3A_49 = arith.constant dense<0.000000e+00> : vector<1024xf32>
      %reduce_sum3A_50 = vector.multi_reduction <add>, %mul3A_48, %reduce_sum3A_49 [1] : vector<1024x256xf32> to vector<1024xf32>
      %broadcast_in_dim3A_51 = vector.shape_cast %reduce_sum3A_50 : vector<1024xf32> to vector<1024x1xf32>
      %swap3A_52 = arith.constant 0 : index
      %swap3A_53 = arith.constant 0 : index
      %swap3A_54 = vector.load %arg5[%swap3A_52, %swap3A_53] : memref<1024x1xf32, #tpu.memory_space<vmem>>, vector<1024x1xf32>
      tpu.vector_store %arg5[%swap3A_52, %swap3A_53], %broadcast_in_dim3A_51 {strides = array<i32>} : memref<1024x1xf32, #tpu.memory_space<vmem>>, vector<1024x1xf32>,
    } else {
    }
    %dot_general3A = arith.constant dense<0.000000e+00> : vector<1024x768xf32>
    %dot_general3A_9 = tpu.matmul %get3A_6, %get3A_3, %dot_general3A {dimension_numbers = #tpu.dot_dimension_numbers<[1], [1], [0], [0], [0, 0, 1, 0], [], []>, transpose_lhs_hint = false} : vector<1024x256xf32>, vector<768x256xf32>, vector<1024x768xf32> -> vector<1024x768xf32>
    %get3A_10 = arith.constant 0 : index
    %get3A_11 = arith.constant 0 : index
    %get3A_12 = vector.load %arg5[%get3A_10, %get3A_11] : memref<1024x1xf32, #tpu.memory_space<vmem>>, vector<1024x1xf32>
    %mul3A = arith.constant 2.000000e+00 : f32
    %mul3A_13 = vector.broadcast %mul3A : f32 to vector<1024x768xf32>
    %mul3A_14 = arith.mulf %mul3A_13, %dot_general3A_9 : vector<1024x768xf32>
    %sub3A = vector.broadcast %get3A_12 : vector<1024x1xf32> to vector<1024x768xf32>
    %sub3A_15 = arith.subf %sub3A, %mul3A_14 : vector<1024x768xf32>
    %reduce_min3A = arith.constant dense<0x7F800000> : vector<768xf32>
    %reduce_min3A_16 = vector.multi_reduction <minimumf>, %sub3A_15, %reduce_min3A [0] : vector<1024x768xf32> to vector<768xf32>
    %broadcast_in_dim3A = vector.shape_cast %reduce_min3A_16 : vector<768xf32> to vector<1x768xf32>
    %iota3A = tpu.iota {dimensions = array<i32: 0>} : vector<1024x768xi32>
    %eq3A_17 = vector.broadcast %broadcast_in_dim3A : vector<1x768xf32> to vector<1024x768xf32>
    %eq3A_18 = arith.cmpf oeq, %sub3A_15, %eq3A_17 : vector<1024x768xf32>
    %jit3A = arith.constant 1024 : i32
    %broadcast_in_dim3A_19 = vector.broadcast %jit3A : i32 to vector<1024x768xi32>
    %select_n3A = arith.select %eq3A_18, %iota3A, %broadcast_in_dim3A_19 : vector<1024x768xi1>, vector<1024x768xi32>
    %reduce_min3A_20 = arith.constant dense<2147483647> : vector<768xi32>
    %reduce_min3A_21 = vector.multi_reduction <minsi>, %select_n3A, %reduce_min3A_20 [0] : vector<1024x768xi32> to vector<768xi32>
    %broadcast_in_dim3A_22 = vector.shape_cast %reduce_min3A_21 : vector<768xi32> to vector<1x768xi32>
    %squeeze3A = vector.shape_cast %broadcast_in_dim3A_22 : vector<1x768xi32> to vector<768xi32>
    %mul3A_23 = arith.constant 768 : i32
    %mul3A_24 = arith.muli %arg0, %mul3A_23 : i32
    %swap3A = arith.index_cast %mul3A_24 : i32 to index
    %swap3A_25 = vector.load %arg3[%swap3A] : memref<2304xi32, #tpu.memory_space<vmem>>, vector<768xi32>
    tpu.vector_store %arg3[%swap3A], %squeeze3A {strides = array<i32>} : memref<2304xi32, #tpu.memory_space<vmem>>, vector<768xi32>,
    %eq3A_26 = arith.constant 0 : i32
    %eq3A_27 = arith.cmpi eq, %arg0, %eq3A_26 : i32
    %convert_element_type3A_28 = arith.extui %eq3A_27 : i1 to i32
    %cond3A_29 = arith.constant 0 : i32
    %cond3A_30 = arith.cmpi ne, %convert_element_type3A_28, %cond3A_29 : i32
    scf.if %cond3A_30 {
      %swap3A_48 = arith.constant 0.000000e+00 : f32
      %swap3A_49 = arith.constant 0 : index
      %swap3A_50 = arith.constant 0 : index
      %swap3A_51 = memref.load %arg4[%swap3A_49, %swap3A_50] : memref<1x1xf32, #tpu.memory_space<smem>>
      memref.store %swap3A_48, %arg4[%swap3A_49, %swap3A_50] : memref<1x1xf32, #tpu.memory_space<smem>>
    } else {
    }
    %get3A_31 = arith.constant 0 : index
    %get3A_32 = arith.constant 0 : index
    %get3A_33 = memref.load %arg4[%get3A_31, %get3A_32] : memref<1x1xf32, #tpu.memory_space<smem>>
    %reduce_sum3A = vector.shape_cast %broadcast_in_dim3A : vector<1x768xf32> to vector<1x1x768xf32>
    %reduce_sum3A_34 = arith.constant dense<0.000000e+00> : vector<1xf32>
    %reduce_sum3A_35 = vector.multi_reduction <add>, %reduce_sum3A, %reduce_sum3A_34 [1, 2] : vector<1x1x768xf32> to vector<1xf32>
    %reduce_sum3A_36 = vector.shape_cast %reduce_sum3A_35 : vector<1xf32> to vector<1x1x1xf32>
    %reduce_sum3A_37 = vector.extract %reduce_sum3A_36[0, 0, 0] : f32 from vector<1x1x1xf32>
    %mul3A_38 = arith.mulf %get3A_3, %get3A_3 : vector<768x256xf32>
    %reduce_sum3A_39 = vector.shape_cast %mul3A_38 : vector<768x256xf32> to vector<1x768x256xf32>
    %reduce_sum3A_40 = arith.constant dense<0.000000e+00> : vector<1xf32>
    %reduce_sum3A_41 = vector.multi_reduction <add>, %reduce_sum3A_39, %reduce_sum3A_40 [1, 2] : vector<1x768x256xf32> to vector<1xf32>
    %reduce_sum3A_42 = vector.shape_cast %reduce_sum3A_41 : vector<1xf32> to vector<1x1x1xf32>
    %reduce_sum3A_43 = vector.extract %reduce_sum3A_42[0, 0, 0] : f32 from vector<1x1x1xf32>
    %add3A = arith.addf %reduce_sum3A_37, %reduce_sum3A_43 : f32
    %add3A_44 = arith.addf %get3A_33, %add3A : f32
    %swap3A_45 = arith.constant 0 : index
    %swap3A_46 = arith.constant 0 : index
    %swap3A_47 = memref.load %arg4[%swap3A_45, %swap3A_46] : memref<1x1xf32, #tpu.memory_space<smem>>
    memref.store %add3A_44, %arg4[%swap3A_45, %swap3A_46] : memref<1x1xf32, #tpu.memory_space<smem>>
    return
  }
  func.func @transform_0(%arg0: i32) -> (i32, i32, i32) {
    %c0_i32 = arith.constant 0 : i32
    %c0_i32_0 = arith.constant 0 : i32
    %c0_i32_1 = arith.constant 0 : i32
    return %arg0, %c0_i32, %c0_i32_0 : i32, i32, i32
  }
  func.func @transform_1(%arg0: i32) -> (i32, i32) {
    %c0_i32 = arith.constant 0 : i32
    %c0_i32_0 = arith.constant 0 : i32
    %c0_i32_1 = arith.constant 0 : i32
    return %c0_i32, %c0_i32_0 : i32, i32
  }
  func.func @transform_2(%arg0: i32) -> i32 {
    %c0_i32 = arith.constant 0 : i32
    %c0_i32_0 = arith.constant 0 : i32
    return %c0_i32 : i32
  }
  func.func @transform_3(%arg0: i32) -> (i32, i32) {
    %c0_i32 = arith.constant 0 : i32
    %c0_i32_0 = arith.constant 0 : i32
    %c0_i32_1 = arith.constant 0 : i32
    return %c0_i32, %c0_i32_0 : i32, i32
  }
}

module attributes {stable_mosaic.version = 14 : i64} {
  func.func @_dist_argmin_b_body(%arg0: i32, %arg1: memref<1x768x256xf32, #tpu.memory_space<vmem>>, %arg2: memref<1024x256xf32, #tpu.memory_space<vmem>>, %arg3: memref<1x1xf32, #tpu.memory_space<smem>>, %arg4: memref<2304xi32, #tpu.memory_space<vmem>>, %arg5: memref<1x1xf32, #tpu.memory_space<smem>>, %arg6: memref<768x256xf32, #tpu.memory_space<vmem>>, %arg7: memref<1024x1xf32, #tpu.memory_space<vmem>>) attributes {dimension_semantics = [#tpu.dimension_semantics<arbitrary>], iteration_bounds = array<i64: 3>, scalar_prefetch = 0 : i64, scratch_operands = 1 : i64, tpu.core_type = #tpu.core_type<tc>, window_params = [{transform_indices = @transform_0, window_bounds = array<i64: 1, 768, 256>}, {pipeline_mode = #tpu.pipeline_mode<synchronous>, transform_indices = @transform_1, window_bounds = array<i64: 1024, 256>}, {transform_indices = @transform_2, window_bounds = array<i64: 1, 1>}, {pipeline_mode = #tpu.pipeline_mode<synchronous>, transform_indices = @transform_3, window_bounds = array<i64: 2304>}, {transform_indices = @transform_4, window_bounds = array<i64: 1, 1>}, {transform_indices = @transform_5, window_bounds = array<i64: 768, 256>}]} {
    %get3A = arith.constant 0 : index
    %get3A_0 = arith.constant 0 : index
    %get3A_1 = arith.constant 0 : index
    %get3A_2 = vector.load %arg1[%get3A, %get3A_0, %get3A_1] : memref<1x768x256xf32, #tpu.memory_space<vmem>>, vector<1x768x256xf32>
    %get3A_3 = vector.shape_cast %get3A_2 : vector<1x768x256xf32> to vector<768x256xf32>
    %get3A_4 = arith.constant 0 : index
    %get3A_5 = arith.constant 0 : index
    %get3A_6 = vector.load %arg2[%get3A_4, %get3A_5] : memref<1024x256xf32, #tpu.memory_space<vmem>>, vector<1024x256xf32>
    %eq3A = arith.constant 0 : i32
    %eq3A_7 = arith.cmpi eq, %arg0, %eq3A : i32
    %convert_element_type3A = arith.extui %eq3A_7 : i1 to i32
    %cond3A = arith.constant 0 : i32
    %cond3A_8 = arith.cmpi ne, %convert_element_type3A, %cond3A : i32
    scf.if %cond3A_8 {
      %mul3A_73 = arith.mulf %get3A_6, %get3A_6 : vector<1024x256xf32>
      %reduce_sum3A_74 = arith.constant dense<0.000000e+00> : vector<1024xf32>
      %reduce_sum3A_75 = vector.multi_reduction <add>, %mul3A_73, %reduce_sum3A_74 [1] : vector<1024x256xf32> to vector<1024xf32>
      %broadcast_in_dim3A_76 = vector.shape_cast %reduce_sum3A_75 : vector<1024xf32> to vector<1024x1xf32>
      %swap3A_77 = arith.constant 0 : index
      %swap3A_78 = arith.constant 0 : index
      %swap3A_79 = vector.load %arg7[%swap3A_77, %swap3A_78] : memref<1024x1xf32, #tpu.memory_space<vmem>>, vector<1024x1xf32>
      tpu.vector_store %arg7[%swap3A_77, %swap3A_78], %broadcast_in_dim3A_76 {strides = array<i32>} : memref<1024x1xf32, #tpu.memory_space<vmem>>, vector<1024x1xf32>,
    } else {
    }
    %dot_general3A = arith.constant dense<0.000000e+00> : vector<1024x768xf32>
    %dot_general3A_9 = tpu.matmul %get3A_6, %get3A_3, %dot_general3A {dimension_numbers = #tpu.dot_dimension_numbers<[1], [1], [0], [0], [0, 0, 1, 0], [], []>, transpose_lhs_hint = false} : vector<1024x256xf32>, vector<768x256xf32>, vector<1024x768xf32> -> vector<1024x768xf32>
    %get3A_10 = arith.constant 0 : index
    %get3A_11 = arith.constant 0 : index
    %get3A_12 = vector.load %arg7[%get3A_10, %get3A_11] : memref<1024x1xf32, #tpu.memory_space<vmem>>, vector<1024x1xf32>
    %mul3A = arith.constant 2.000000e+00 : f32
    %mul3A_13 = vector.broadcast %mul3A : f32 to vector<1024x768xf32>
    %mul3A_14 = arith.mulf %mul3A_13, %dot_general3A_9 : vector<1024x768xf32>
    %sub3A = vector.broadcast %get3A_12 : vector<1024x1xf32> to vector<1024x768xf32>
    %sub3A_15 = arith.subf %sub3A, %mul3A_14 : vector<1024x768xf32>
    %reduce_min3A = arith.constant dense<0x7F800000> : vector<768xf32>
    %reduce_min3A_16 = vector.multi_reduction <minimumf>, %sub3A_15, %reduce_min3A [0] : vector<1024x768xf32> to vector<768xf32>
    %broadcast_in_dim3A = vector.shape_cast %reduce_min3A_16 : vector<768xf32> to vector<1x768xf32>
    %iota3A = tpu.iota {dimensions = array<i32: 0>} : vector<1024x768xi32>
    %eq3A_17 = vector.broadcast %broadcast_in_dim3A : vector<1x768xf32> to vector<1024x768xf32>
    %eq3A_18 = arith.cmpf oeq, %sub3A_15, %eq3A_17 : vector<1024x768xf32>
    %jit3A = arith.constant 1024 : i32
    %broadcast_in_dim3A_19 = vector.broadcast %jit3A : i32 to vector<1024x768xi32>
    %select_n3A = arith.select %eq3A_18, %iota3A, %broadcast_in_dim3A_19 : vector<1024x768xi1>, vector<1024x768xi32>
    %reduce_min3A_20 = arith.constant dense<2147483647> : vector<768xi32>
    %reduce_min3A_21 = vector.multi_reduction <minsi>, %select_n3A, %reduce_min3A_20 [0] : vector<1024x768xi32> to vector<768xi32>
    %broadcast_in_dim3A_22 = vector.shape_cast %reduce_min3A_21 : vector<768xi32> to vector<1x768xi32>
    %squeeze3A = vector.shape_cast %broadcast_in_dim3A_22 : vector<1x768xi32> to vector<768xi32>
    %mul3A_23 = arith.constant 768 : i32
    %mul3A_24 = arith.muli %arg0, %mul3A_23 : i32
    %swap3A = arith.index_cast %mul3A_24 : i32 to index
    %swap3A_25 = vector.load %arg4[%swap3A] : memref<2304xi32, #tpu.memory_space<vmem>>, vector<768xi32>
    tpu.vector_store %arg4[%swap3A], %squeeze3A {strides = array<i32>} : memref<2304xi32, #tpu.memory_space<vmem>>, vector<768xi32>,
    %eq3A_26 = arith.constant 0 : i32
    %eq3A_27 = arith.cmpi eq, %arg0, %eq3A_26 : i32
    %convert_element_type3A_28 = arith.extui %eq3A_27 : i1 to i32
    %cond3A_29 = arith.constant 0 : i32
    %cond3A_30 = arith.cmpi ne, %convert_element_type3A_28, %cond3A_29 : i32
    scf.if %cond3A_30 {
      %swap3A_73 = arith.constant 0.000000e+00 : f32
      %swap3A_74 = arith.constant 0 : index
      %swap3A_75 = arith.constant 0 : index
      %swap3A_76 = memref.load %arg5[%swap3A_74, %swap3A_75] : memref<1x1xf32, #tpu.memory_space<smem>>
      memref.store %swap3A_73, %arg5[%swap3A_74, %swap3A_75] : memref<1x1xf32, #tpu.memory_space<smem>>
    } else {
    }
    %get3A_31 = arith.constant 0 : index
    %get3A_32 = arith.constant 0 : index
    %get3A_33 = memref.load %arg5[%get3A_31, %get3A_32] : memref<1x1xf32, #tpu.memory_space<smem>>
    %reduce_sum3A = vector.shape_cast %broadcast_in_dim3A : vector<1x768xf32> to vector<1x1x768xf32>
    %reduce_sum3A_34 = arith.constant dense<0.000000e+00> : vector<1xf32>
    %reduce_sum3A_35 = vector.multi_reduction <add>, %reduce_sum3A, %reduce_sum3A_34 [1, 2] : vector<1x1x768xf32> to vector<1xf32>
    %reduce_sum3A_36 = vector.shape_cast %reduce_sum3A_35 : vector<1xf32> to vector<1x1x1xf32>
    %reduce_sum3A_37 = vector.extract %reduce_sum3A_36[0, 0, 0] : f32 from vector<1x1x1xf32>
    %mul3A_38 = arith.mulf %get3A_3, %get3A_3 : vector<768x256xf32>
    %reduce_sum3A_39 = vector.shape_cast %mul3A_38 : vector<768x256xf32> to vector<1x768x256xf32>
    %reduce_sum3A_40 = arith.constant dense<0.000000e+00> : vector<1xf32>
    %reduce_sum3A_41 = vector.multi_reduction <add>, %reduce_sum3A_39, %reduce_sum3A_40 [1, 2] : vector<1x768x256xf32> to vector<1xf32>
    %reduce_sum3A_42 = vector.shape_cast %reduce_sum3A_41 : vector<1xf32> to vector<1x1x1xf32>
    %reduce_sum3A_43 = vector.extract %reduce_sum3A_42[0, 0, 0] : f32 from vector<1x1x1xf32>
    %add3A = arith.addf %reduce_sum3A_37, %reduce_sum3A_43 : f32
    %add3A_44 = arith.addf %get3A_33, %add3A : f32
    %swap3A_45 = arith.constant 0 : index
    %swap3A_46 = arith.constant 0 : index
    %swap3A_47 = memref.load %arg5[%swap3A_45, %swap3A_46] : memref<1x1xf32, #tpu.memory_space<smem>>
    memref.store %add3A_44, %arg5[%swap3A_45, %swap3A_46] : memref<1x1xf32, #tpu.memory_space<smem>>
    %eq3A_48 = arith.constant 0 : i32
    %eq3A_49 = arith.cmpi eq, %arg0, %eq3A_48 : i32
    %convert_element_type3A_50 = arith.extui %eq3A_49 : i1 to i32
    %cond3A_51 = arith.constant 0 : i32
    %cond3A_52 = arith.cmpi ne, %convert_element_type3A_50, %cond3A_51 : i32
    scf.if %cond3A_52 {
      %get3A_73 = arith.constant 0 : index
      %get3A_74 = arith.constant 0 : index
      %get3A_75 = memref.load %arg5[%get3A_73, %get3A_74] : memref<1x1xf32, #tpu.memory_space<smem>>
      %get3A_76 = arith.constant 0 : index
      %get3A_77 = arith.constant 0 : index
      %get3A_78 = memref.load %arg3[%get3A_76, %get3A_77] : memref<1x1xf32, #tpu.memory_space<smem>>
      %add3A_79 = arith.addf %get3A_75, %get3A_78 : f32
      %swap3A_80 = arith.constant 0 : index
      %swap3A_81 = arith.constant 0 : index
      %swap3A_82 = memref.load %arg5[%swap3A_80, %swap3A_81] : memref<1x1xf32, #tpu.memory_space<smem>>
      memref.store %add3A_79, %arg5[%swap3A_80, %swap3A_81] : memref<1x1xf32, #tpu.memory_space<smem>>
    } else {
    }
    %eq3A_53 = vector.broadcast %broadcast_in_dim3A_22 : vector<1x768xi32> to vector<1024x768xi32>
    %eq3A_54 = arith.cmpi eq, %iota3A, %eq3A_53 : vector<1024x768xi32>
    %jit3A_55 = arith.constant 1.000000e+00 : f32
    %jit3A_56 = arith.constant 0.000000e+00 : f32
    %broadcast_in_dim3A_57 = vector.broadcast %jit3A_55 : f32 to vector<1024x768xf32>
    %broadcast_in_dim3A_58 = vector.broadcast %jit3A_56 : f32 to vector<1024x768xf32>
    %select_n3A_59 = arith.select %eq3A_54, %broadcast_in_dim3A_57, %broadcast_in_dim3A_58 : vector<1024x768xi1>, vector<1024x768xf32>
    %get3A_60 = arith.constant 0 : index
    %get3A_61 = arith.constant 0 : index
    %get3A_62 = vector.load %arg2[%get3A_60, %get3A_61] : memref<1024x256xf32, #tpu.memory_space<vmem>>, vector<1024x256xf32>
    %dot_general3A_63 = arith.constant dense<0.000000e+00> : vector<768x256xf32>
    %dot_general3A_64 = tpu.matmul %select_n3A_59, %get3A_62, %dot_general3A_63 {dimension_numbers = #tpu.dot_dimension_numbers<[0], [0], [1], [1], [0, 1, 1, 1], [], []>, transpose_lhs_hint = false} : vector<1024x768xf32>, vector<1024x256xf32>, vector<768x256xf32> -> vector<768x256xf32>
    %swap3A_65 = arith.constant 0 : index
    %swap3A_66 = arith.constant 0 : index
    %swap3A_67 = vector.load %arg6[%swap3A_65, %swap3A_66] : memref<768x256xf32, #tpu.memory_space<vmem>>, vector<768x256xf32>
    tpu.vector_store %arg6[%swap3A_65, %swap3A_66], %dot_general3A_64 {strides = array<i32>} : memref<768x256xf32, #tpu.memory_space<vmem>>, vector<768x256xf32>,
    %eq3A_68 = arith.constant 2 : i32
    %eq3A_69 = arith.cmpi eq, %arg0, %eq3A_68 : i32
    %convert_element_type3A_70 = arith.extui %eq3A_69 : i1 to i32
    %cond3A_71 = arith.constant 0 : i32
    %cond3A_72 = arith.cmpi ne, %convert_element_type3A_70, %cond3A_71 : i32
    scf.if %cond3A_72 {
      %get3A_73 = arith.constant 0 : index
      %get3A_74 = arith.constant 0 : index
      %get3A_75 = memref.load %arg5[%get3A_73, %get3A_74] : memref<1x1xf32, #tpu.memory_space<smem>>
      %div3A = arith.constant 1.250000e+00 : f32
      %div3A_76 = arith.constant 0x49900000 : f32
      %div3A_77 = arith.divf %div3A, %div3A_76 : f32
      %mul3A_78 = arith.mulf %get3A_75, %div3A_77 : f32
      %swap3A_79 = arith.constant 0 : index
      %swap3A_80 = arith.constant 0 : index
      %swap3A_81 = memref.load %arg5[%swap3A_79, %swap3A_80] : memref<1x1xf32, #tpu.memory_space<smem>>
      memref.store %mul3A_78, %arg5[%swap3A_79, %swap3A_80] : memref<1x1xf32, #tpu.memory_space<smem>>
    } else {
    }
    return
  }
  func.func @transform_0(%arg0: i32) -> (i32, i32, i32) {
    %add3A = arith.constant 3 : i32
    %add3A_0 = arith.addi %arg0, %add3A : i32
    %c0_i32 = arith.constant 0 : i32
    %c0_i32_1 = arith.constant 0 : i32
    %c0_i32_2 = arith.constant 0 : i32
    return %add3A_0, %c0_i32, %c0_i32_1 : i32, i32, i32
  }
  func.func @transform_1(%arg0: i32) -> (i32, i32) {
    %c0_i32 = arith.constant 0 : i32
    %c0_i32_0 = arith.constant 0 : i32
    %c0_i32_1 = arith.constant 0 : i32
    return %c0_i32, %c0_i32_0 : i32, i32
  }
  func.func @transform_2(%arg0: i32) -> (i32, i32) {
    %c0_i32 = arith.constant 0 : i32
    %c0_i32_0 = arith.constant 0 : i32
    %c0_i32_1 = arith.constant 0 : i32
    return %c0_i32, %c0_i32_0 : i32, i32
  }
  func.func @transform_3(%arg0: i32) -> i32 {
    %c0_i32 = arith.constant 0 : i32
    %c0_i32_0 = arith.constant 0 : i32
    return %c0_i32 : i32
  }
  func.func @transform_4(%arg0: i32) -> (i32, i32) {
    %c0_i32 = arith.constant 0 : i32
    %c0_i32_0 = arith.constant 0 : i32
    %c0_i32_1 = arith.constant 0 : i32
    return %c0_i32, %c0_i32_0 : i32, i32
  }
  func.func @transform_5(%arg0: i32) -> (i32, i32) {
    %c0_i32 = arith.constant 0 : i32
    %c0_i32_0 = arith.constant 0 : i32
    return %arg0, %c0_i32 : i32, i32
  }
}

</mosaic_0001>

<sc_bundles>
// kernel: kernel.5.cloned.1.call-start
scs
__scs_entry_jumppad:
0x0: {  	(pc) =	sbr.rel $0x88, $3  }
0x1: {  	(tag) =	ssettag $0x0;
	lr =	simm.s32 $0x1  }
0x2: {  	[smem:$0x3F9F] =	sst lr;
	_ =	strace $0xD0000000  }
0x3: {  	_ = 	snop  }
0x4: {  	_ = 	snop  }
0x5: {  	_ = 	snop  }
0x6: {  	_ = 	snop  }
0x7: {  	_ = 	snop  }
__scs_overlays_trampoline_lowered:
0x8: {  	[smem:$0x3FAE] =	sst s0  }
0x9: {  	[smem:$0x3FAF] =	sst s1  }
0xa: {  	[smem:$0x3FB0] =	sst s2  }
0xb: {  	[smem:$0x3FB1] =	sst s3  }
0xc: {  	[smem:$0x3FB2] =	sst s4  }
0xd: {  	[smem:$0x3FB3] =	sst s5  }
0xe: {  	[smem:$0x3FB4] =	sst s6  }
0xf: {  	[smem:$0x3FB5] =	sst s7  }
0x10: {  	[smem:$0x3FB6] =	sst s8  }
0x11: {  	[smem:$0x3FB7] =	sst s9;
	s0 =	simm.s32 @!p0 $0x0  }
0x12: {  	s1 =	sld [smem:$0x3F9D];
	s0 =	simm.s32 @p0 $0x1  }
0x13: {  	[smem:$0x3FB8] =	sst s0;
	s0 =	simm.s32 @!p1 $0x0  }
0x14: {  	s2 =	sld [smem:$0x3F9C];
	s0 =	simm.s32 @p1 $0x1  }
0x15: {  	[smem:$0x3FB9] =	sst s0;
	s0 =	simm.s32 @!p2 $0x0  }
0x16: {  	s3 =	sld [smem:$0x3FDB];
	s0 =	simm.s32 @p2 $0x1  }
0x17: {  	s4 =	simm.s32 $0x1BF5;
	[smem:$0x3FBB] =	sst s0  }
0x18: {  	s0 =	sld [smem:$0x3F9E];
	_ =	swait.ge [sflag:s4], $0x0  }
0x19: {  	s7 =	sld [smem:$0x3F9F]  }
0x1a: {  	s8 =	sadd.s32 $0xFFFFE003, lr  }
0x1b: {  	s9 =	sadd.s32 $0xFFFFFEF7, lr;
	s5 =	simm.s32 $0xFFFFFFFF;
	p2 =	slt.u32 s8, $0xFFFFF086  }
0x1c: {  	p1 =	slt.u32 s9, $0xF7A;
	s5 =	simm.s32 @!p2 $0x0  }
0x1d: {  	s5 =	simm.s32 @p1 $0x1;
	p0 =	seq.s32 s7, s2  }
0x1e: {  	s7 =	smul.u32 @!p0 $0xF7A, s2;
	p2 =	seq.s32 @!p0 s5, $0x0  }
0x1f: {  	s9 =	smul.u32 $0xF7A, s1;
	s8 =	simm.s32 @!p0 $0x1BF5;
	p2 =	por !p2, p0  }
0x20: {  	[sflag:s8] =	ssyncset.s32 @!p0 $0xFFFFF086;
	s6 =	sadd.s32 @!p0 s3, s7;
	s7 =	simm.s32 @!p0 $0x108  }
0x21: {  	s3 =	sadd.s32 s3, s9;
	s6 =	sadd.s32 @!p0 $0x88, s6;
	s7 =	simm.s32 @p2 $0x1082  }
0x22: {  	[simem:s7], [sflag:s8] =	dma.local @!p0 [hbm:s6], $0xF7A  }
0x23: {  	s9 =	sor.u32 $0xD0000000, s2;
	s6 =	simm.s32 $0x108;
	_ =	swait.ge @!p0 [sflag:s8], $0x0  }
0x24: {  	s3 =	sadd.s32 $0x88, s3;
	s6 =	simm.s32 @!p1 $0x1082;
	[sflag:s4] =	ssyncset.s32 $0xFFFFF086  }
0x25: {  	[simem:s6], [sflag:s4] =	dma.local [hbm:s3], $0xF7A  }
0x26: {  	[smem:$0x3F9F] =	sst s1;
	(tag) =	ssettag s2;
	_ =	strace s9  }
0x27: {  	s1 =	sld [smem:$0x3FAF]  }
0x28: {  	s2 =	sld [smem:$0x3FB0]  }
0x29: {  	s4 =	sld [smem:$0x3FB2]  }
0x2a: {  	p0 =	seq.s32 s5, $0x0;
	s5 =	sld [smem:$0x3FB3]  }
0x2b: {  	s6 =	sld [smem:$0x3FB4]  }
0x2c: {  	s7 =	sld [smem:$0x3FB5]  }
0x2d: {  	s3 =	simm.s32 $0x108;
	s8 =	sld [smem:$0x3FB6]  }
0x2e: {  	s3 =	simm.s32 @!p0 $0x1082;
	s9 =	sld [smem:$0x3FB7]  }
0x2f: {  	lr =	sadd.s32 s0, s3;
	s0 =	sld [smem:$0x3FAE]  }
0x30: {  	s3 =	sld [smem:$0x3FB1]  }
0x31: {  	[smem:$0x3FBA] =	sst s10  }
0x32: {  	s10 =	sld [smem:$0x3FB8];
	_ =	sdelay $0x3  }
0x33: {  	p0 =	seq.s32 s10, $0x1;
	s10 =	sld [smem:$0x3FBA];
	_ =	sdelay $0x3  }
0x34: {  	[smem:$0x3FBA] =	sst s10  }
0x35: {  	s10 =	sld [smem:$0x3FB9];
	_ =	sdelay $0x3  }
0x36: {  	p1 =	seq.s32 s10, $0x1;
	s10 =	sld [smem:$0x3FBA];
	_ =	sdelay $0x3  }
0x37: {  	[smem:$0x3FBA] =	sst s10  }
0x38: {  	s10 =	sld [smem:$0x3FBB]  }
0x39: {  	_ = 	snop;
	(pc) =	sbr.ind lr, $3  }
0x3a: {  	_ = 	snop  }
0x3b: {  	_ = 	snop  }
0x3c: {  	p2 =	seq.s32 s10, $0x1;
	s10 =	sld [smem:$0x3FBA]  }
0x3d: {  	_ =	shalt  }
0x3e: {  	_ =	shalt  }
0x3f: {  	_ =	shalt  }
0x40: {  	_ =	shalt  }
0x41: {  	_ =	shalt  }
0x42: {  	_ =	shalt  }
0x43: {  	_ =	shalt  }
0x44: {  	_ =	shalt  }
0x45: {  	_ =	shalt  }
0x46: {  	_ =	shalt  }
0x47: {  	_ =	shalt  }
0x48: {  	_ =	shalt  }
0x49: {  	_ =	shalt  }
0x4a: {  	_ =	shalt  }
0x4b: {  	_ =	shalt  }
0x4c: {  	_ =	shalt  }
0x4d: {  	_ =	shalt  }
0x4e: {  	_ =	shalt  }
0x4f: {  	_ =	shalt  }
0x50: {  	_ =	shalt  }
0x51: {  	_ =	shalt  }
0x52: {  	_ =	shalt  }
0x53: {  	_ =	shalt  }
0x54: {  	_ =	shalt  }
0x55: {  	_ =	shalt  }
0x56: {  	_ =	shalt  }
0x57: {  	_ =	shalt  }
0x58: {  	_ =	shalt  }
0x59: {  	_ =	shalt  }
0x5a: {  	_ =	shalt  }
0x5b: {  	_ =	shalt  }
0x5c: {  	_ =	shalt  }
0x5d: {  	_ =	shalt  }
0x5e: {  	_ =	shalt  }
0x5f: {  	_ =	shalt  }
0x60: {  	_ =	shalt  }
0x61: {  	_ =	shalt  }
0x62: {  	_ =	shalt  }
0x63: {  	_ =	shalt  }
0x64: {  	_ =	shalt  }
0x65: {  	_ =	shalt  }
0x66: {  	_ =	shalt  }
0x67: {  	_ =	shalt  }
0x68: {  	_ =	shalt  }
0x69: {  	_ =	shalt  }
0x6a: {  	_ =	shalt  }
0x6b: {  	_ =	shalt  }
0x6c: {  	_ =	shalt  }
0x6d: {  	_ =	shalt  }
0x6e: {  	_ =	shalt  }
0x6f: {  	_ =	shalt  }
0x70: {  	_ =	shalt  }
0x71: {  	_ =	shalt  }
0x72: {  	_ =	shalt  }
0x73: {  	_ =	shalt  }
0x74: {  	_ =	shalt  }
0x75: {  	_ =	shalt  }
0x76: {  	_ =	shalt  }
0x77: {  	_ =	shalt  }
0x78: {  	_ =	shalt  }
0x79: {  	_ =	shalt  }
0x7a: {  	_ =	shalt  }
0x7b: {  	_ =	shalt  }
0x7c: {  	_ =	shalt  }
0x7d: {  	_ =	shalt  }
0x7e: {  	_ =	shalt  }
0x7f: {  	_ =	shalt  }
0x80: {  	_ =	shalt  }
0x81: {  	_ =	shalt  }
0x82: {  	_ =	shalt  }
0x83: {  	_ =	shalt  }
0x84: {  	_ =	shalt  }
0x85: {  	_ =	shalt  }
0x86: {  	_ =	shalt  }
0x87: {  	_ =	shalt  }
.Lfunc_end0:
.L_simem_size_0:
called_computation_lowered:
.L_overlay_start_0:
0x88: {  	s2 =	sld [smem:$0x3FD9]  }
0x89: {  	s3 =	sld [smem:$0x3FFE];
	_ =	sdelay $0x1  }
0x8a: {  	s1 =	srdreg.scid  }
0x8b: {  	s0 =	sand.u32 $0x1, s1  }
0x8c: {  	s14 =	sshll.u32 s0, $0xA;
	s2 =	sadd.s32 s3, s2  }
0x8d: {  	s2 =	sadd.s32 s2, s14  }
0x8e: {  	[smem:$0x3FC6] =	sst s2  }
0x8f: {  	_ = 	snop  }
0x90: {  	s2 =	sld [smem:$0x3FD0];
	_ =	sdelay $0x2  }
0x91: {  	s4 =	simm.s32 $0xA;
	s5 =	simm.s32 $0x10;
	s15 =	sld [smem:$0x3FC8]  }
0x92: {  	[smem:s5], [sflag:s4] =	dma.local [hbm:s2], $0x1  }
0x93: {  	_ =	swait.eq [sflag:s4], $0x1  }
0x94: {  	[sflag:s4] =	ssyncset.done $0x0  }
0x95: {  	[sflag:s4] =	ssyncadd.s32 $0xFFFFFFFF  }
0x96: {  	s16 =	sld [smem:$0x10];
	(tm) =	ssettm $0x1  }
0x97: {  	s17 =	sld [smem:$0x3FFB];
	_ =	sdelay $0x3  }
0x98: {  	_ =	strace s17  }
0x99: {  	s4 =	sld [smem:$0x3FFC];
	_ =	sdelay $0x3  }
0x9a: {  	_ =	strace s4  }
0x9b: {  	s4 =	sld [smem:$0x3FFD];
	_ =	sdelay $0x3  }
0x9c: {  	_ =	strace s4  }
0x9d: {  	_ =	strace $0x8FFFFFFF  }
0x9e: {  	s18 =	sld [smem:$0x3FDB];
	_ =	sdelay $0x1  }
0x9f: {  	s19 =	simm.s32 $_scs_section_size  }
0xa0: {  	s6 =	simm.s32 $_size__tile_overlayer_lowered;
	s7 =	simm.s32 $_tile_overlayer_lowered  }
0xa1: {  	s22 =	simm.s32 $0x1BFF;
	s21 =	sshll.u32 s7, $0x1;
	s4 =	sadd.s32 s19, s18  }
0xa2: {  	s8 =	simm.s32 $0x0;
	s20 =	sshll.u32 s6, $0x1;
	s6 =	sadd.s32 s21, s4  }
0xa3: {  	[timem:s8], [sflag:s22] =	dma.local [hbm:s6], s20  }
0xa4: {  	_ =	swait.ge [sflag:s22], s20  }
0xa5: {  	s5 =	ssub.s32 $0x0, s20;
	[sflag:s22] =	ssyncset.done $0x0  }
0xa6: {  	[sflag:s22] =	ssyncadd.s32 s5;
	_ =	sdelay $0x1  }
0xa7: {  	s23 =	simm.s32 $0x1B8B  }
0xa8: {  	_ =	swait.ge [sflag:s23], $0x1  }
0xa9: {  	[sflag:s23] =	ssyncset.done $0x0  }
0xaa: {  	s25 =	simm.s32 $0x1B8E;
	s24 =	sld [smem:$0x3FFE];
	[sflag:s23] =	ssyncadd.s32 $0xFFFFFFFF  }
0xab: {  	s26 =	simm.s32 $execute0_lowered;
	[smem:$0x3FD2] =	sst s25  }
0xac: {  	s6 =	sshll.u32 s26, $0x1;
	_ =	strace $0x80000046;
	[dreg:$0x1] =	wrdreg $0xFFFFFFFF  }
0xad: {  	s28 =	simm.s32 $_size_execute0_lowered;
	s4 =	sadd.s32 s4, s6;
	[dreg:$0x0] =	wrdreg $0x0  }
0xae: {  	s6 =	sshll.u32 s28, $0x1;
	[dreg:$0x2] =	wrdreg s4  }
0xaf: {  	[dreg:$0x3] =	wrdreg s6  }
0xb0: {  	[dreg:$0x4] =	wrdreg $0xC0  }
0xb1: {  	_ =	task [dreg:s8], $0x5FFFF  }
0xb2: {  	[dreg:$0x1] =	wrdreg $0xFFFFFFFF  }
0xb3: {  	[dreg:$0x0] =	wrdreg $0x60  }
0xb4: {  	[dreg:$0x2] =	wrdreg s15  }
0xb5: {  	[dreg:$0x3] =	wrdreg s24  }
0xb6: {  	[dreg:$0x4] =	wrdreg s16  }
0xb7: {  	[dreg:$0x5] =	wrdreg $0x9  }
0xb8: {  	_ =	task.clear_ibuf [dreg:s8], $0x6FFFF;
	_ =	strace $0x90000046  }
0xb9: {  	s29 =	simm.s32 $0x9;
	_ =	strace $0x80000048  }
0xba: {  	_ =	swait.ge [sflag:s29], $0x1  }
0xbb: {  	[sflag:s29] =	ssyncadd.s32 $0xFFFFFFFF  }
0xbc: {  	_ =	strace $0x90000048  }
0xbd: {  	_ =	sfence  }
0xbe: {  	s30 =	sld [smem:$0x0];
	_ =	sdelay $0x2  }
0xbf: {  	s31 =	sshll.u32 s1, $0xD;
	s1 =	sshrl.u32 s1, $0x2  }
0xc0: {  	s3 =	sand.u32 $0x4000, s31;
	s1 =	sadd.s32 s1, s30  }
0xc1: {  	s0 =	sor.u32 s3, s0;
	s1 =	sshll.u32 s1, $0x11  }
0xc2: {  	s0 =	sor.u32 s1, s0  }
0xc3: {  	s0 =	sadd.s32 $0x8F2B, s0  }
0xc4: {  	[sflag:s0] =	ssyncadd.remote.s32 $0x1  }
0xc5: {  	_ =	sfence.sel $0xFFFF  }
0xc6: {  	[dreg:$0x0] =	wrdreg $0xFFFFFFFF;
	(pc) =	sbr.abs _section_cstart, $3  }
0xc7: {  	[dreg:$0x1] =	wrdreg $0xFFFFFFFF  }
0xc8: {  	_ =	task.clear_ibuf [dreg:s8], $0x2FFFF;
	_ =	strace $0x9FFFFFFF  }
0xc9: {  	(tm) =	ssettm $0x7FFFFFFF  }
tec
execute0_lowered:
.L_overlay_start_1:
0x0: {  	(tag) =	ssettag $0x1  }
0x1: {  	s1 =	rddreg [dreg:$0x0]  }
0x2: {  	s4 =	rddreg [dreg:$0x1];
	s2 =	srdreg.scid  }
0x3: {  	s0 =	stileid.u32;
	s5 =	rddreg [dreg:$0x2];
	s3 =	simm.s32 $0x0  }
0x4: {  	s11 =	simm.s32 $0x1080;
	s12 =	simm.s32 $0x1880;
	s13 =	simm.s32 $0x2080  }
0x5: {  	s14 =	simm.s32 $0x2880;
	s15 =	simm.s32 $0x3080;
	s16 =	simm.s32 $0x3880  }
0x6: {  	s17 =	simm.s32 $0x4080;
	s18 =	simm.s32 $0x1;
	s19 =	simm.s32 $0x2  }
0x7: {  	s20 =	simm.s32 $0x3;
	s6 =	sand.u32 $0x1, s2;
	s7 =	sshll.u32 s0, $0x1  }
0x8: {  	s21 =	simm.s32 $0x4;
	s2 =	rddreg [dreg:$0x3];
	s7 =	sor.u32 s6, s7  }
0x9: {  	[smem:$0x7FF] =	sst s3;
	s6 =	ssub.s32 $0x2, s6;
	s8 =	smul.u32 $0x4800, s7  }
0xa: {  	_ =	strace $0x80000047;
	s9 =	smul.u32 $0x9, s7;
	s10 =	sshrl.u32 s6, $0x1  }
0xb: {  	s7 =	smul.u32 $0x900, s7;
	s30 =	ssub.s32 s6, s10;
	s10 =	simm.s32 $0x880  }
0xc: {  	v2 =	vlaneseq.u32;
	s8 =	sshrl.u32 s8, $0x3;
	s4 =	sadd.s32 s9, s4;
	s9 =	simm.s32 $0x80  }
0xd: {  	vm0 =	vmmov $0xffff;
	v1 =	vshrl.u32 v2, $0x3;
	s31 =	sadd.s32 s5, s8;
	s4 =	sadd.s32 $0x1A00, s4;
	s5 =	sadd.s32 s5, s7  }
0xe: {  	v0 =	vand.u32 $0x7, v2;
	v2 =	vor.u32 $0x8, v2;
	v1 =	vmul.u32 $0x8, v1;
	s7 =	smax.u32 s30, $0x1;
	s8 =	simm.s32 $0x5;
	s6 =	sadd.s32 $0x500, s31  }
.LBB2_1:
0xf: {  	[tilespmem:s3], [sflag:$0x5] =	stream.linear.gather [hbm4b:s4+s3], $0x48, $0x38;
	[tilespmem:$0x4880] =	vst v63  }
0x10: {  	_ =	swait.ge [sflag:s8], $0x48  }
0x11: {  	[sflag:s8] =	ssyncset.done $0x0  }
0x12: {  	[sflag:s8] =	ssyncadd.s32 $0xFFFFFFB8  }
0x13: {  	v3 =	vld [tilespmem:$0x0];
	_ =	sdelay $0x4  }
0x14: {  	v4 =	vshll.u32 v3, $0x1  }
0x15: {  	v3 =	vand.u32 $0x7, v3;
	v4 =	vand.u32 $0xFFFFFFF0, v4  }
0x16: {  	v3 =	vor.u32 v3, v4  }
0x17: {  	v4 =	vperm.xlane v3, v0;
	_ =	sdelay $0x1  }
0x18: {  	v3 =	vperm.xlane v3, v2;
	v4 =	vadd.s32 v1, v4;
	_ =	sdelay $0x1  }
0x19: {  	v3 =	vadd.s32 v1, v3;
	_ =	sdelay $0x2  }
0x1a: {  	[tilespmem:s9], [sflag:$0x1] =	stream.indirect_vreg.gather [hbm4b:s1+s3], $0x80, v4, vm0, $0xb8;
	[tilespmem:$0x4880] =	vst v63  }
0x1b: {  	_ = 	snop  }
0x1c: {  	[tilespmem:s10], [sflag:$0x1] =	stream.indirect_vreg.gather [hbm4b:s1+s3], $0x80, v3, vm0, $0xb8;
	[tilespmem:$0x4880] =	vst v63  }
0x1d: {  	v3 =	vld [tilespmem:$0x10];
	_ =	sdelay $0x4  }
0x1e: {  	v60 =	vshll.u32 v3, $0x1  }
0x1f: {  	v3 =	vand.u32 $0x7, v3;
	v4 =	vand.u32 $0xFFFFFFF0, v60  }
0x20: {  	v3 =	vor.u32 v3, v4  }
0x21: {  	v4 =	vperm.xlane v3, v0;
	_ =	sdelay $0x1  }
0x22: {  	v3 =	vperm.xlane v3, v2;
	v4 =	vadd.s32 v1, v4;
	_ =	sdelay $0x1  }
0x23: {  	v3 =	vadd.s32 v1, v3;
	_ =	sdelay $0x2  }
0x24: {  	[tilespmem:s11], [sflag:$0x1] =	stream.indirect_vreg.gather [hbm4b:s1+s3], $0x80, v4, vm0, $0xb8;
	[tilespmem:$0x4880] =	vst v63  }
0x25: {  	_ = 	snop  }
0x26: {  	[tilespmem:s12], [sflag:$0x1] =	stream.indirect_vreg.gather [hbm4b:s1+s3], $0x80, v3, vm0, $0xb8;
	[tilespmem:$0x4880] =	vst v63  }
0x27: {  	v3 =	vld.msk [tilespmem:$0x20], $0xff;
	_ =	sdelay $0x4  }
0x28: {  	v61 =	vshll.u32 v3, $0x1  }
0x29: {  	v3 =	vand.u32 $0x7, v3;
	v4 =	vand.u32 $0xFFFFFFF0, v61  }
0x2a: {  	v3 =	vor.u32 v3, v4  }
0x2b: {  	v3 =	vperm.xlane v3, v0;
	_ =	sdelay $0x1  }
0x2c: {  	v3 =	vadd.s32 v1, v3;
	_ =	sdelay $0x4  }
0x2d: {  	[tilespmem:s13], [sflag:$0x1] =	stream.indirect_vreg.gather [hbm4b:s1+s3], $0x80, v3, vm0, $0xb8;
	[tilespmem:$0x4880] =	vst v63  }
0x2e: {  	v3 =	vld [tilespmem:$0x28];
	_ =	sdelay $0x4  }
0x2f: {  	v62 =	vshll.u32 v3, $0x1  }
0x30: {  	v3 =	vand.u32 $0x7, v3;
	v4 =	vand.u32 $0xFFFFFFF0, v62  }
0x31: {  	v3 =	vor.u32 v3, v4  }
0x32: {  	v4 =	vperm.xlane v3, v0;
	_ =	sdelay $0x1  }
0x33: {  	v3 =	vperm.xlane v3, v2;
	v4 =	vadd.s32 v1, v4;
	_ =	sdelay $0x1  }
0x34: {  	v3 =	vadd.s32 v1, v3;
	_ =	sdelay $0x2  }
0x35: {  	[tilespmem:s14], [sflag:$0x2] =	stream.indirect_vreg.gather [hbm4b:s1+s3], $0x80, v4, vm0, $0xb8;
	[tilespmem:$0x4880] =	vst v63  }
0x36: {  	_ = 	snop  }
0x37: {  	[tilespmem:s15], [sflag:$0x2] =	stream.indirect_vreg.gather [hbm4b:s1+s3], $0x80, v3, vm0, $0xb8;
	[tilespmem:$0x4880] =	vst v63  }
0x38: {  	v3 =	vld [tilespmem:$0x38];
	_ =	sdelay $0x4  }
0x39: {  	v63 =	vshll.u32 v3, $0x1  }
0x3a: {  	v3 =	vand.u32 $0x7, v3;
	v4 =	vand.u32 $0xFFFFFFF0, v63  }
0x3b: {  	v3 =	vor.u32 v3, v4  }
0x3c: {  	v4 =	vperm.xlane v3, v0;
	_ =	sdelay $0x1  }
0x3d: {  	v3 =	vperm.xlane v3, v2;
	v4 =	vadd.s32 v1, v4;
	_ =	sdelay $0x1  }
0x3e: {  	v3 =	vadd.s32 v1, v3;
	_ =	sdelay $0x2  }
0x3f: {  	[tilespmem:s16], [sflag:$0x2] =	stream.indirect_vreg.gather [hbm4b:s1+s3], $0x80, v4, vm0, $0xb8;
	[tilespmem:$0x4880] =	vst v63  }
0x40: {  	_ = 	snop  }
0x41: {  	[tilespmem:s17], [sflag:$0x2] =	stream.indirect_vreg.gather [hbm4b:s1+s3], $0x80, v3, vm0, $0xb8;
	[tilespmem:$0x4880] =	vst v63  }
0x42: {  	_ =	swait.ge [sflag:s18], $0x2800  }
0x43: {  	[sflag:s18] =	ssyncset.done $0x0  }
0x44: {  	[sflag:s18] =	ssyncadd.s32 $0xFFFFD800  }
0x45: {  	[hbm4b:s5+s3] =	stream.linear.scatter [tilespmem:s9], [sflag:$0x3], $0x2800, $0x38;
	[tilespmem:$0x4880] =	vst v63  }
0x46: {  	_ =	swait.ge [sflag:s19], $0x2000  }
0x47: {  	[sflag:s19] =	ssyncset.done $0x0  }
0x48: {  	[sflag:s19] =	ssyncadd.s32 $0xFFFFE000  }
0x49: {  	[hbm4b:s6+s3] =	stream.linear.scatter [tilespmem:s14], [sflag:$0x4], $0x2000, $0x38;
	[tilespmem:$0x4880] =	vst v63  }
0x4a: {  	p0 =	sne.s32 s7, $0x1;
	_ =	swait.ge [sflag:s20], $0x2800  }
.Ltmp0:
0x4b: {  	[sflag:s20] =	ssyncset.done $0x0;
	(pc) =	sbr.rel @p0 .LBB2_1-.Ltmp0, $4  }
0x4c: {  	[sflag:s20] =	ssyncadd.s32 $0xFFFFD800  }
0x4d: {  	_ =	swait.ge [sflag:s21], $0x2000  }
0x4e: {  	[sflag:s21] =	ssyncset.done $0x0  }
0x4f: {  	s7 =	sadd.s32 $0xFFFFFFFF, s7;
	[sflag:s21] =	ssyncadd.s32 $0xFFFFE000  }
0x50: {  	_ =	sfence.sel $0x180000  }
0x51: {  	[bflag:$0x0] =	sbarrier.arrive $0xFFFF  }
0x52: {  	p0 =	sne.s32 s0, $0x0;
	_ =	strace $0x90000047  }
0x53: {  	s0 =	sadd.s32 @!p0 $0x100000, s2;
	[bflag:$0x2] =	sbarrier.arrive $0xFFFF  }
0x54: {  	[sflag:s0] =	ssyncadd.tile.s32 @!p0 $0x1;
	_ =	shalt  }
.Lfunc_end2:
_tile_overlayer_lowered:
.L_overlay_start_2:
0x55: {  	(tag) =	ssettag $0x2  }
0x56: {  	s0 =	rddreg [dreg:$0x0];
	s2 =	stileid.u32  }
0x57: {  	s1 =	rddreg [dreg:$0x1];
	p0 =	sne.s32 s2, $0x0  }
0x58: {  	s3 =	rddreg [dreg:$0x2];
	[bflag:$0x3] =	sbarrier.arrive $0xFFFF;
	s2 =	simm.s32 @!p0 $0x1C05  }
0x59: {  	[timem:s3], [sflag:s2] =	dma.local @!p0 [hbm:s0], s1  }
0x5a: {  	s0 =	simm.s32 @!p0 $0x5  }
0x5b: {  	_ =	swait.ge @!p0 [sflag:s0], s1  }
0x5c: {  	s1 =	ssub.s32 @!p0 $0x0, s1;
	[sflag:s0] =	ssyncset.done @!p0 $0x0  }
0x5d: {  	[sflag:s0] =	ssyncadd.s32 @!p0 s1  }
0x5e: {  	[bflag:$0x3] =	sbarrier.arrive $0xFFFF  }
0x5f: {  	_ =	shalt  }

</sc_bundles>
